<compile_context>
chip_gen: v7x
topology: tpu7x:2x2x1
jax: 0.10.2.dev20260603
libtpu: 0.0.44.dev20260713+nightly
codegen_flags: <defaults>
</compile_context>

<pallas_src>
import functools

import jax
import jax.numpy as jnp
import numpy as np
from jax import lax
from jax.experimental import pallas as pl
from jax.experimental.pallas import tpu as pltpu
from jax.experimental.pallas import tpu_sc as plsc

_NUM_STOCKS = 100000
_DIM = 64
_RANK = 2
_BATCH = 4096
_SEQ = 50
_ROW = _DIM * _RANK
_SEQ2 = _SEQ // 2


def _make_sc_gather():
    try:
        info = plsc.get_sparse_core_info()
        nc, ns = info.num_cores, info.num_subcores
    except Exception:
        nc, ns = 2, 16
    nw = nc * ns
    b_per_w = _BATCH // nw
    mesh = plsc.VectorSubcoreMesh(
        core_axis_name="c", subcore_axis_name="s", num_cores=nc)

    @functools.partial(
        pl.kernel,
        mesh=mesh,
        out_type=[
            jax.ShapeDtypeStruct((_BATCH, _ROW), jnp.float32),
            jax.ShapeDtypeStruct((_BATCH, _ROW), jnp.float32),
        ],
        scratch_types=[
            pltpu.VMEM((b_per_w,), jnp.int32),
            pltpu.VMEM((b_per_w, _ROW), jnp.float32),
            pltpu.VMEM((b_per_w, _ROW), jnp.float32),
            pltpu.SemaphoreType.DMA,
            pltpu.SemaphoreType.DMA,
        ],
    )
    def sc_gather(idx_hbm, tableA_hbm, tableB_hbm, outA_hbm, outB_hbm,
                  idx_v, rowsA_v, rowsB_v, semA, semB):
        wid = lax.axis_index("s") * nc + lax.axis_index("c")
        base = wid * b_per_w
        pltpu.sync_copy(idx_hbm.at[pl.ds(base, b_per_w)], idx_v)
        cpA = pltpu.async_copy(tableA_hbm.at[idx_v], rowsA_v, semA)
        cpB = pltpu.async_copy(tableB_hbm.at[idx_v], rowsB_v, semB)
        cpA.wait()
        pltpu.sync_copy(rowsA_v, outA_hbm.at[pl.ds(base, b_per_w)])
        cpB.wait()
        pltpu.sync_copy(rowsB_v, outB_hbm.at[pl.ds(base, b_per_w)])

    return sc_gather


_sc_gather_cache = []


def _sc_gather(idx, tableA, tableB):
    if not _sc_gather_cache:
        _sc_gather_cache.append(_make_sc_gather())
    return _sc_gather_cache[0](idx, tableA, tableB)


_BB = 256


def _perm_matrix():
    p = np.arange(2 * _ROW)
    q = np.where(p < _ROW, 2 * (p % _DIM), 2 * (p % _DIM) + 1)
    m = np.zeros((_ROW, 2 * _ROW), np.float32)
    m[q, p] = 1.0
    return jnp.asarray(m)


def _tc_body(lat_ref, gA_ref, gB_ref, perm_ref, out_ref):
    perm = perm_ref[...]
    pa = jnp.dot(gA_ref[...], perm,
                 preferred_element_type=jnp.float32)
    pb = jnp.dot(gB_ref[...], perm,
                 preferred_element_type=jnp.float32)
    a0d, a1d = pa[:, :_ROW], pa[:, _ROW:]
    b0d, b1d = pb[:, :_ROW], pb[:, _ROW:]

    lat = lat_ref[...]
    lanes = lax.broadcasted_iota(jnp.int32, (1, 1, _ROW), 2)
    mlo = lanes < _DIM
    wlo = mlo.astype(jnp.float32)
    t0 = lat * a0d[:, None, :]
    t1 = lat * a1d[:, None, :]
    s0 = jnp.sum(t0, axis=-1)
    r0e = jnp.sum(t0 * wlo, axis=-1)
    r0o = s0 - r0e
    s1 = jnp.sum(t1, axis=-1)
    r1e = jnp.sum(t1 * wlo, axis=-1)
    r1o = s1 - r1e
    R0 = jnp.where(mlo, r0e[:, :, None], r0o[:, :, None])
    R1 = jnp.where(mlo, r1e[:, :, None], r1o[:, :, None])
    out_ref[...] = R0 * b0d[:, None, :] + R1 * b1d[:, None, :]


def _tc_compute(lat2, gA, gB, perm):
    vec_spec = pl.BlockSpec((_BB, _ROW), lambda i: (i, 0))
    return pl.pallas_call(
        _tc_body,
        grid=(_BATCH // _BB,),
        in_specs=[
            pl.BlockSpec((_BB, _SEQ2, _ROW), lambda i: (i, 0, 0)),
            vec_spec, vec_spec,
            pl.BlockSpec((_ROW, 2 * _ROW), lambda i: (0, 0)),
        ],
        out_specs=pl.BlockSpec((_BB, _SEQ2, _ROW), lambda i: (i, 0, 0)),
        out_shape=jax.ShapeDtypeStruct((_BATCH, _SEQ2, _ROW), jnp.float32),
    )(lat2, gA, gB, perm)


def kernel(latent, indexStock, tableA, tableB):
    gA, gB = _sc_gather(indexStock, tableA, tableB)
    lat2 = latent.reshape(_BATCH, _SEQ2, _ROW)
    out2 = _tc_compute(lat2, gA, gB, _perm_matrix())
    return out2.reshape(_BATCH, _SEQ, _DIM)

# --- scband reference (transcript-rebuilt; emitter-appended) ---
"""Pipeline reference for scband-stock-lo-ra-21973052686439 (READ-ONLY COPY).

The authoritative reference and input builder live on the scoring server;
editing this copy changes nothing except your own understanding.
"""

import jax, jax.numpy as jnp
import numpy as np

NUM_STOCKS = 100000
DIM_LATENT = 64
RANK = 2
BATCH = 4096
SEQ = 50

def setup_inputs(seed: int = 0) -> dict:
    key = jax.random.key(seed)
    k1, k2, k3 = jax.random.split(key, 3)
    latent = jax.random.normal(k1, (BATCH, SEQ, DIM_LATENT), dtype=jnp.float32)
    indexStock = jax.random.randint(k2, (BATCH,), 0, NUM_STOCKS, dtype=jnp.int64 if jax.config.jax_enable_x64 else jnp.int32).astype(jnp.int32)
    # Learned parameters: two embedding tables of shape [num_stocks, dim_latent*rank].
    # Keras default for embedA is random-uniform; embedB is zeros-init, but we use small
    # random values for both so the reference numerics (fwd and grads) are non-trivial.
    tableA = jax.random.normal(k3, (NUM_STOCKS, DIM_LATENT * RANK), dtype=jnp.float32) * 0.05
    tableB = jax.random.normal(jax.random.fold_in(k3, 1), (NUM_STOCKS, DIM_LATENT * RANK), dtype=jnp.float32) * 0.05
    return {"latent": latent, "indexStock": indexStock, "tableA": tableA, "tableB": tableB}

def reference(latent, indexStock, tableA, tableB):
    # embedding gather (SparseCore-friendly): table[idx]
    loraA = jnp.take(tableA, indexStock, axis=0).reshape(-1, DIM_LATENT, RANK)
    loraB = jnp.take(tableB, indexStock, axis=0).reshape(-1, DIM_LATENT, RANK)
    r = jnp.einsum('bij,bjk->bik', latent, loraA)
    outputs = jnp.einsum('bij,bkj->bik', r, loraB)
    return outputs

if False:  # reference __main__ guard neutralized (emitter)
    out = reference(**setup_inputs())
    print(out.shape)

if __name__ == "__main__":
    import jax
    _d = setup_inputs()
    print(jax.jit(kernel)(*tuple(_d.values())))

</pallas_src>

<mosaic_0001>
#map = affine_map<(d0, d1) -> (0)>
#map1 = affine_map<(d0, d1) -> (0, 0)>
module attributes {stable_mosaic.version = 14 : i64} {
  func.func @sc_gather(%arg0: i32, %arg1: i32, %arg2: memref<4096xi32, #tpu.memory_space<hbm>>, %arg3: memref<100000x128xf32, #tpu.memory_space<hbm>>, %arg4: memref<100000x128xf32, #tpu.memory_space<hbm>>, %arg5: memref<4096x128xf32, #tpu.memory_space<hbm>>, %arg6: memref<4096x128xf32, #tpu.memory_space<hbm>>, %arg7: memref<128xi32, #tpu.memory_space<vmem>>, %arg8: memref<128x128xf32, #tpu.memory_space<vmem>>, %arg9: memref<128x128xf32, #tpu.memory_space<vmem>>, %arg10: memref<!tpu.dma_semaphore, #tpu.memory_space<semaphore_mem>>, %arg11: memref<!tpu.dma_semaphore, #tpu.memory_space<semaphore_mem>>) attributes {dimension_semantics = [#tpu.dimension_semantics<core_parallel>, #tpu.dimension_semantics<subcore_parallel>], iteration_bounds = array<i64: 2, 16>, scalar_prefetch = 0 : i64, scratch_operands = 5 : i64, tpu.core_type = #tpu.core_type<sc_vector_subcore>, window_params = [{transform_indices = #map}, {transform_indices = #map1}, {transform_indices = #map1}, {transform_indices = #map1}, {transform_indices = #map1}]} {
    %mul3A = arith.constant 2 : i32
    %mul3A_0 = arith.muli %arg1, %mul3A : i32
    %add3A = arith.addi %mul3A_0, %arg0 : i32
    %mul3A_1 = arith.constant 128 : i32
    %mul3A_2 = arith.muli %add3A, %mul3A_1 : i32
    "tpu.region"() ({
      %run_scoped3A = tpu.sem_alloc : memref<!tpu.dma_semaphore, #tpu.memory_space<semaphore_mem>>
      %dma_start3A_13 = tpu.memref_slice %arg2[%mul3A_2] : memref<4096xi32, #tpu.memory_space<hbm>> -> memref<128xi32, #tpu.memory_space<hbm>>
      %dma_start3A_14 = tpu.memref_slice %arg2[%mul3A_2] : memref<4096xi32, #tpu.memory_space<hbm>> -> memref<128xi32, #tpu.memory_space<hbm>>
      tpu.enqueue_dma source(%dma_start3A_14 : memref<128xi32, #tpu.memory_space<hbm>>) target(%arg7 : memref<128xi32, #tpu.memory_space<vmem>>) target_semaphore(%run_scoped3A : memref<!tpu.dma_semaphore, #tpu.memory_space<semaphore_mem>>)
      %dma_wait3A_15 = tpu.memref_slice %arg2[%mul3A_2] : memref<4096xi32, #tpu.memory_space<hbm>> -> memref<128xi32, #tpu.memory_space<hbm>>
      %dma_wait3A_16 = tpu.memref_slice %arg2[%mul3A_2] : memref<4096xi32, #tpu.memory_space<hbm>> -> memref<128xi32, #tpu.memory_space<hbm>>
      tpu.wait_dma2 semaphore(%run_scoped3A : memref<!tpu.dma_semaphore, #tpu.memory_space<semaphore_mem>>) src(%dma_wait3A_16 : memref<128xi32, #tpu.memory_space<hbm>>) dst(%arg7 : memref<128xi32, #tpu.memory_space<vmem>>)
      tpu.yield
    }) : () -> ()
    %dma_start3A = arith.constant 0 : i32
    %dma_start3A_3 = arith.constant 0 : i32
    %dma_start3A_4 = tpu.memref_slice %arg3[%dma_start3A, %dma_start3A_3] : memref<100000x128xf32, #tpu.memory_space<hbm>> -> memref<100000x128xf32, #tpu.memory_space<hbm>>
    tpu.enqueue_indirect_dma source(%dma_start3A_4 : memref<100000x128xf32, #tpu.memory_space<hbm>>) target(%arg8 : memref<128x128xf32, #tpu.memory_space<vmem>>) offsets(%arg7 : memref<128xi32, #tpu.memory_space<vmem>>) semaphore(%arg10 : memref<!tpu.dma_semaphore, #tpu.memory_space<semaphore_mem>>)
    %dma_start3A_5 = arith.constant 0 : i32
    %dma_start3A_6 = arith.constant 0 : i32
    %dma_start3A_7 = tpu.memref_slice %arg4[%dma_start3A_5, %dma_start3A_6] : memref<100000x128xf32, #tpu.memory_space<hbm>> -> memref<100000x128xf32, #tpu.memory_space<hbm>>
    tpu.enqueue_indirect_dma source(%dma_start3A_7 : memref<100000x128xf32, #tpu.memory_space<hbm>>) target(%arg9 : memref<128x128xf32, #tpu.memory_space<vmem>>) offsets(%arg7 : memref<128xi32, #tpu.memory_space<vmem>>) semaphore(%arg11 : memref<!tpu.dma_semaphore, #tpu.memory_space<semaphore_mem>>)
    %dma_wait3A = arith.constant 0 : i32
    %dma_wait3A_8 = arith.constant 0 : i32
    %dma_wait3A_9 = tpu.memref_slice %arg3[%dma_wait3A, %dma_wait3A_8] : memref<100000x128xf32, #tpu.memory_space<hbm>> -> memref<100000x128xf32, #tpu.memory_space<hbm>>
    tpu.wait_indirect_dma semaphore(%arg10 : memref<!tpu.dma_semaphore, #tpu.memory_space<semaphore_mem>>) src(%dma_wait3A_9 : memref<100000x128xf32, #tpu.memory_space<hbm>>) dst(%arg8 : memref<128x128xf32, #tpu.memory_space<vmem>>)
    "tpu.region"() ({
      %run_scoped3A = tpu.sem_alloc : memref<!tpu.dma_semaphore, #tpu.memory_space<semaphore_mem>>
      %dma_start3A_13 = arith.constant 0 : i32
      %dma_start3A_14 = tpu.memref_slice %arg5[%mul3A_2, %dma_start3A_13] : memref<4096x128xf32, #tpu.memory_space<hbm>> -> memref<128x128xf32, #tpu.memory_space<hbm>>
      %dma_start3A_15 = arith.constant 0 : i32
      %dma_start3A_16 = tpu.memref_slice %arg5[%mul3A_2, %dma_start3A_15] : memref<4096x128xf32, #tpu.memory_space<hbm>> -> memref<128x128xf32, #tpu.memory_space<hbm>>
      tpu.enqueue_dma source(%arg8 : memref<128x128xf32, #tpu.memory_space<vmem>>) target(%dma_start3A_16 : memref<128x128xf32, #tpu.memory_space<hbm>>) target_semaphore(%run_scoped3A : memref<!tpu.dma_semaphore, #tpu.memory_space<semaphore_mem>>)
      %dma_wait3A_17 = arith.constant 0 : i32
      %dma_wait3A_18 = tpu.memref_slice %arg5[%mul3A_2, %dma_wait3A_17] : memref<4096x128xf32, #tpu.memory_space<hbm>> -> memref<128x128xf32, #tpu.memory_space<hbm>>
      %dma_wait3A_19 = arith.constant 0 : i32
      %dma_wait3A_20 = tpu.memref_slice %arg5[%mul3A_2, %dma_wait3A_19] : memref<4096x128xf32, #tpu.memory_space<hbm>> -> memref<128x128xf32, #tpu.memory_space<hbm>>
      tpu.wait_dma2 semaphore(%run_scoped3A : memref<!tpu.dma_semaphore, #tpu.memory_space<semaphore_mem>>) src(%arg8 : memref<128x128xf32, #tpu.memory_space<vmem>>) dst(%dma_wait3A_20 : memref<128x128xf32, #tpu.memory_space<hbm>>)
      tpu.yield
    }) : () -> ()
    %dma_wait3A_10 = arith.constant 0 : i32
    %dma_wait3A_11 = arith.constant 0 : i32
    %dma_wait3A_12 = tpu.memref_slice %arg4[%dma_wait3A_10, %dma_wait3A_11] : memref<100000x128xf32, #tpu.memory_space<hbm>> -> memref<100000x128xf32, #tpu.memory_space<hbm>>
    tpu.wait_indirect_dma semaphore(%arg11 : memref<!tpu.dma_semaphore, #tpu.memory_space<semaphore_mem>>) src(%dma_wait3A_12 : memref<100000x128xf32, #tpu.memory_space<hbm>>) dst(%arg9 : memref<128x128xf32, #tpu.memory_space<vmem>>)
    "tpu.region"() ({
      %run_scoped3A = tpu.sem_alloc : memref<!tpu.dma_semaphore, #tpu.memory_space<semaphore_mem>>
      %dma_start3A_13 = arith.constant 0 : i32
      %dma_start3A_14 = tpu.memref_slice %arg6[%mul3A_2, %dma_start3A_13] : memref<4096x128xf32, #tpu.memory_space<hbm>> -> memref<128x128xf32, #tpu.memory_space<hbm>>
      %dma_start3A_15 = arith.constant 0 : i32
      %dma_start3A_16 = tpu.memref_slice %arg6[%mul3A_2, %dma_start3A_15] : memref<4096x128xf32, #tpu.memory_space<hbm>> -> memref<128x128xf32, #tpu.memory_space<hbm>>
      tpu.enqueue_dma source(%arg9 : memref<128x128xf32, #tpu.memory_space<vmem>>) target(%dma_start3A_16 : memref<128x128xf32, #tpu.memory_space<hbm>>) target_semaphore(%run_scoped3A : memref<!tpu.dma_semaphore, #tpu.memory_space<semaphore_mem>>)
      %dma_wait3A_17 = arith.constant 0 : i32
      %dma_wait3A_18 = tpu.memref_slice %arg6[%mul3A_2, %dma_wait3A_17] : memref<4096x128xf32, #tpu.memory_space<hbm>> -> memref<128x128xf32, #tpu.memory_space<hbm>>
      %dma_wait3A_19 = arith.constant 0 : i32
      %dma_wait3A_20 = tpu.memref_slice %arg6[%mul3A_2, %dma_wait3A_19] : memref<4096x128xf32, #tpu.memory_space<hbm>> -> memref<128x128xf32, #tpu.memory_space<hbm>>
      tpu.wait_dma2 semaphore(%run_scoped3A : memref<!tpu.dma_semaphore, #tpu.memory_space<semaphore_mem>>) src(%arg9 : memref<128x128xf32, #tpu.memory_space<vmem>>) dst(%dma_wait3A_20 : memref<128x128xf32, #tpu.memory_space<hbm>>)
      tpu.yield
    }) : () -> ()
    return
  }
}

module attributes {stable_mosaic.version = 14 : i64} {
  func.func @_tc_body(%arg0: i32, %arg1: memref<256x25x128xf32, #tpu.memory_space<vmem>>, %arg2: memref<256x128xf32, #tpu.memory_space<vmem>>, %arg3: memref<256x128xf32, #tpu.memory_space<vmem>>, %arg4: memref<128x256xf32, #tpu.memory_space<vmem>>, %arg5: memref<256x25x128xf32, #tpu.memory_space<vmem>>) attributes {dimension_semantics = [#tpu.dimension_semantics<arbitrary>], iteration_bounds = array<i64: 16>, scalar_prefetch = 0 : i64, scratch_operands = 0 : i64, tpu.core_type = #tpu.core_type<tc>, window_params = [{transform_indices = @transform_0, window_bounds = array<i64: 256, 25, 128>}, {transform_indices = @transform_1, window_bounds = array<i64: 256, 128>}, {transform_indices = @transform_2, window_bounds = array<i64: 256, 128>}, {pipeline_mode = #tpu.pipeline_mode<synchronous>, transform_indices = @transform_3, window_bounds = array<i64: 128, 256>}, {transform_indices = @transform_4, window_bounds = array<i64: 256, 25, 128>}]} {
    %get3A = arith.constant 0 : index
    %get3A_0 = arith.constant 0 : index
    %get3A_1 = vector.load %arg4[%get3A, %get3A_0] : memref<128x256xf32, #tpu.memory_space<vmem>>, vector<128x256xf32>
    %get3A_2 = arith.constant 0 : index
    %get3A_3 = arith.constant 0 : index
    %get3A_4 = vector.load %arg2[%get3A_2, %get3A_3] : memref<256x128xf32, #tpu.memory_space<vmem>>, vector<256x128xf32>
    %dot_general3A = arith.constant dense<0.000000e+00> : vector<256x256xf32>
    %dot_general3A_5 = tpu.matmul %get3A_4, %get3A_1, %dot_general3A {dimension_numbers = #tpu.dot_dimension_numbers<[1], [0], [0], [1], [0, 0, 1, 1], [], []>, transpose_lhs_hint = false} : vector<256x128xf32>, vector<128x256xf32>, vector<256x256xf32> -> vector<256x256xf32>
    %get3A_6 = arith.constant 0 : index
    %get3A_7 = arith.constant 0 : index
    %get3A_8 = vector.load %arg3[%get3A_6, %get3A_7] : memref<256x128xf32, #tpu.memory_space<vmem>>, vector<256x128xf32>
    %dot_general3A_9 = arith.constant dense<0.000000e+00> : vector<256x256xf32>
    %dot_general3A_10 = tpu.matmul %get3A_8, %get3A_1, %dot_general3A_9 {dimension_numbers = #tpu.dot_dimension_numbers<[1], [0], [0], [1], [0, 0, 1, 1], [], []>, transpose_lhs_hint = false} : vector<256x128xf32>, vector<128x256xf32>, vector<256x256xf32> -> vector<256x256xf32>
    %slice3A = vector.extract_strided_slice %dot_general3A_5 {offsets = [0, 0], sizes = [256, 128], strides = [1, 1]} : vector<256x256xf32> to vector<256x128xf32>
    %slice3A_11 = vector.extract_strided_slice %dot_general3A_5 {offsets = [0, 128], sizes = [256, 128], strides = [1, 1]} : vector<256x256xf32> to vector<256x128xf32>
    %slice3A_12 = vector.extract_strided_slice %dot_general3A_10 {offsets = [0, 0], sizes = [256, 128], strides = [1, 1]} : vector<256x256xf32> to vector<256x128xf32>
    %slice3A_13 = vector.extract_strided_slice %dot_general3A_10 {offsets = [0, 128], sizes = [256, 128], strides = [1, 1]} : vector<256x256xf32> to vector<256x128xf32>
    %get3A_14 = arith.constant 0 : index
    %get3A_15 = arith.constant 0 : index
    %get3A_16 = arith.constant 0 : index
    %get3A_17 = vector.load %arg1[%get3A_14, %get3A_15, %get3A_16] : memref<256x25x128xf32, #tpu.memory_space<vmem>>, vector<256x25x128xf32>
    %iota3A = tpu.iota {dimensions = array<i32: 2>} : vector<1x1x128xi32>
    %lt3A = arith.constant 64 : i32
    %lt3A_18 = vector.broadcast %lt3A : i32 to vector<1x1x128xi32>
    %lt3A_19 = arith.cmpi slt, %iota3A, %lt3A_18 : vector<1x1x128xi32>
    %convert_element_type3A = arith.extui %lt3A_19 : vector<1x1x128xi1> to vector<1x1x128xi32>
    %convert_element_type3A_20 = arith.sitofp %convert_element_type3A : vector<1x1x128xi32> to vector<1x1x128xf32>
    %broadcast_in_dim3A = vector.shape_cast %slice3A : vector<256x128xf32> to vector<256x1x128xf32>
    %mul3A = vector.broadcast %broadcast_in_dim3A : vector<256x1x128xf32> to vector<256x25x128xf32>
    %mul3A_21 = arith.mulf %get3A_17, %mul3A : vector<256x25x128xf32>
    %broadcast_in_dim3A_22 = vector.shape_cast %slice3A_11 : vector<256x128xf32> to vector<256x1x128xf32>
    %mul3A_23 = vector.broadcast %broadcast_in_dim3A_22 : vector<256x1x128xf32> to vector<256x25x128xf32>
    %mul3A_24 = arith.mulf %get3A_17, %mul3A_23 : vector<256x25x128xf32>
    %reduce_sum3A = arith.constant dense<0.000000e+00> : vector<256x25xf32>
    %reduce_sum3A_25 = vector.multi_reduction <add>, %mul3A_21, %reduce_sum3A [2] : vector<256x25x128xf32> to vector<256x25xf32>
    %mul3A_26 = vector.broadcast %convert_element_type3A_20 : vector<1x1x128xf32> to vector<256x25x128xf32>
    %mul3A_27 = arith.mulf %mul3A_21, %mul3A_26 : vector<256x25x128xf32>
    %reduce_sum3A_28 = arith.constant dense<0.000000e+00> : vector<256x25xf32>
    %reduce_sum3A_29 = vector.multi_reduction <add>, %mul3A_27, %reduce_sum3A_28 [2] : vector<256x25x128xf32> to vector<256x25xf32>
    %sub3A = arith.subf %reduce_sum3A_25, %reduce_sum3A_29 : vector<256x25xf32>
    %reduce_sum3A_30 = arith.constant dense<0.000000e+00> : vector<256x25xf32>
    %reduce_sum3A_31 = vector.multi_reduction <add>, %mul3A_24, %reduce_sum3A_30 [2] : vector<256x25x128xf32> to vector<256x25xf32>
    %mul3A_32 = vector.broadcast %convert_element_type3A_20 : vector<1x1x128xf32> to vector<256x25x128xf32>
    %mul3A_33 = arith.mulf %mul3A_24, %mul3A_32 : vector<256x25x128xf32>
    %reduce_sum3A_34 = arith.constant dense<0.000000e+00> : vector<256x25xf32>
    %reduce_sum3A_35 = vector.multi_reduction <add>, %mul3A_33, %reduce_sum3A_34 [2] : vector<256x25x128xf32> to vector<256x25xf32>
    %sub3A_36 = arith.subf %reduce_sum3A_31, %reduce_sum3A_35 : vector<256x25xf32>
    %broadcast_in_dim3A_37 = vector.shape_cast %reduce_sum3A_29 : vector<256x25xf32> to vector<256x25x1xf32>
    %broadcast_in_dim3A_38 = vector.shape_cast %sub3A : vector<256x25xf32> to vector<256x25x1xf32>
    %broadcast_in_dim3A_39 = vector.shape_cast %lt3A_19 : vector<1x1x128xi1> to vector<1x1x128xi1>
    %broadcast_in_dim3A_40 = vector.broadcast %broadcast_in_dim3A_39 : vector<1x1x128xi1> to vector<256x25x128xi1>
    %broadcast_in_dim3A_41 = vector.shape_cast %broadcast_in_dim3A_37 : vector<256x25x1xf32> to vector<256x25x1xf32>
    %broadcast_in_dim3A_42 = vector.broadcast %broadcast_in_dim3A_41 : vector<256x25x1xf32> to vector<256x25x128xf32>
    %broadcast_in_dim3A_43 = vector.shape_cast %broadcast_in_dim3A_38 : vector<256x25x1xf32> to vector<256x25x1xf32>
    %broadcast_in_dim3A_44 = vector.broadcast %broadcast_in_dim3A_43 : vector<256x25x1xf32> to vector<256x25x128xf32>
    %select_n3A = arith.select %broadcast_in_dim3A_40, %broadcast_in_dim3A_42, %broadcast_in_dim3A_44 : vector<256x25x128xi1>, vector<256x25x128xf32>
    %broadcast_in_dim3A_45 = vector.shape_cast %reduce_sum3A_35 : vector<256x25xf32> to vector<256x25x1xf32>
    %broadcast_in_dim3A_46 = vector.shape_cast %sub3A_36 : vector<256x25xf32> to vector<256x25x1xf32>
    %broadcast_in_dim3A_47 = vector.shape_cast %lt3A_19 : vector<1x1x128xi1> to vector<1x1x128xi1>
    %broadcast_in_dim3A_48 = vector.broadcast %broadcast_in_dim3A_47 : vector<1x1x128xi1> to vector<256x25x128xi1>
    %broadcast_in_dim3A_49 = vector.shape_cast %broadcast_in_dim3A_45 : vector<256x25x1xf32> to vector<256x25x1xf32>
    %broadcast_in_dim3A_50 = vector.broadcast %broadcast_in_dim3A_49 : vector<256x25x1xf32> to vector<256x25x128xf32>
    %broadcast_in_dim3A_51 = vector.shape_cast %broadcast_in_dim3A_46 : vector<256x25x1xf32> to vector<256x25x1xf32>
    %broadcast_in_dim3A_52 = vector.broadcast %broadcast_in_dim3A_51 : vector<256x25x1xf32> to vector<256x25x128xf32>
    %select_n3A_53 = arith.select %broadcast_in_dim3A_48, %broadcast_in_dim3A_50, %broadcast_in_dim3A_52 : vector<256x25x128xi1>, vector<256x25x128xf32>
    %broadcast_in_dim3A_54 = vector.shape_cast %slice3A_12 : vector<256x128xf32> to vector<256x1x128xf32>
    %mul3A_55 = vector.broadcast %broadcast_in_dim3A_54 : vector<256x1x128xf32> to vector<256x25x128xf32>
    %mul3A_56 = arith.mulf %select_n3A, %mul3A_55 : vector<256x25x128xf32>
    %broadcast_in_dim3A_57 = vector.shape_cast %slice3A_13 : vector<256x128xf32> to vector<256x1x128xf32>
    %mul3A_58 = vector.broadcast %broadcast_in_dim3A_57 : vector<256x1x128xf32> to vector<256x25x128xf32>
    %mul3A_59 = arith.mulf %select_n3A_53, %mul3A_58 : vector<256x25x128xf32>
    %add3A = arith.addf %mul3A_56, %mul3A_59 : vector<256x25x128xf32>
    %swap3A = arith.constant 0 : index
    %swap3A_60 = arith.constant 0 : index
    %swap3A_61 = arith.constant 0 : index
    %swap3A_62 = vector.load %arg5[%swap3A, %swap3A_60, %swap3A_61] : memref<256x25x128xf32, #tpu.memory_space<vmem>>, vector<256x25x128xf32>
    tpu.vector_store %arg5[%swap3A, %swap3A_60, %swap3A_61], %add3A {strides = array<i32>} : memref<256x25x128xf32, #tpu.memory_space<vmem>>, vector<256x25x128xf32>,
    return
  }
  func.func @transform_0(%arg0: i32) -> (i32, i32, i32) {
    %c0_i32 = arith.constant 0 : i32
    %c0_i32_0 = arith.constant 0 : i32
    %c0_i32_1 = arith.constant 0 : i32
    return %arg0, %c0_i32, %c0_i32_0 : i32, i32, i32
  }
  func.func @transform_1(%arg0: i32) -> (i32, i32) {
    %c0_i32 = arith.constant 0 : i32
    %c0_i32_0 = arith.constant 0 : i32
    return %arg0, %c0_i32 : i32, i32
  }
  func.func @transform_2(%arg0: i32) -> (i32, i32) {
    %c0_i32 = arith.constant 0 : i32
    %c0_i32_0 = arith.constant 0 : i32
    return %arg0, %c0_i32 : i32, i32
  }
  func.func @transform_3(%arg0: i32) -> (i32, i32) {
    %c0_i32 = arith.constant 0 : i32
    %c0_i32_0 = arith.constant 0 : i32
    %c0_i32_1 = arith.constant 0 : i32
    return %c0_i32, %c0_i32_0 : i32, i32
  }
  func.func @transform_4(%arg0: i32) -> (i32, i32, i32) {
    %c0_i32 = arith.constant 0 : i32
    %c0_i32_0 = arith.constant 0 : i32
    %c0_i32_1 = arith.constant 0 : i32
    return %arg0, %c0_i32, %c0_i32_0 : i32, i32, i32
  }
}

</mosaic_0001>

<sc_bundles>
// kernel: kernel.4.cloned.1.call-start
scs
__scs_entry_jumppad:
0x0: {  	(pc) =	sbr.rel $0x88, $3  }
0x1: {  	(tag) =	ssettag $0x0;
	lr =	simm.s32 $0x1  }
0x2: {  	[smem:$0x3F9D] =	sst lr;
	_ =	strace $0xD0000000  }
0x3: {  	_ = 	snop  }
0x4: {  	_ = 	snop  }
0x5: {  	_ = 	snop  }
0x6: {  	_ = 	snop  }
0x7: {  	_ = 	snop  }
__scs_overlays_trampoline_lowered:
0x8: {  	[smem:$0x3FAC] =	sst s0  }
0x9: {  	[smem:$0x3FAD] =	sst s1  }
0xa: {  	[smem:$0x3FAE] =	sst s2  }
0xb: {  	[smem:$0x3FAF] =	sst s3  }
0xc: {  	[smem:$0x3FB0] =	sst s4  }
0xd: {  	[smem:$0x3FB1] =	sst s5  }
0xe: {  	[smem:$0x3FB2] =	sst s6  }
0xf: {  	[smem:$0x3FB3] =	sst s7  }
0x10: {  	[smem:$0x3FB4] =	sst s8  }
0x11: {  	[smem:$0x3FB5] =	sst s9;
	s0 =	simm.s32 @!p0 $0x0  }
0x12: {  	s1 =	sld [smem:$0x3F9B];
	s0 =	simm.s32 @p0 $0x1  }
0x13: {  	[smem:$0x3FB6] =	sst s0;
	s0 =	simm.s32 @!p1 $0x0  }
0x14: {  	s2 =	sld [smem:$0x3F9A];
	s0 =	simm.s32 @p1 $0x1  }
0x15: {  	[smem:$0x3FB7] =	sst s0;
	s0 =	simm.s32 @!p2 $0x0  }
0x16: {  	s3 =	sld [smem:$0x3FDB];
	s0 =	simm.s32 @p2 $0x1  }
0x17: {  	s4 =	simm.s32 $0x1BF5;
	[smem:$0x3FB9] =	sst s0  }
0x18: {  	s0 =	sld [smem:$0x3F9C];
	_ =	swait.ge [sflag:s4], $0x0  }
0x19: {  	s7 =	sld [smem:$0x3F9D]  }
0x1a: {  	s8 =	sadd.s32 $0xFFFFE003, lr  }
0x1b: {  	s9 =	sadd.s32 $0xFFFFFEF7, lr;
	s5 =	simm.s32 $0xFFFFFFFF;
	p2 =	slt.u32 s8, $0xFFFFF086  }
0x1c: {  	p1 =	slt.u32 s9, $0xF7A;
	s5 =	simm.s32 @!p2 $0x0  }
0x1d: {  	s5 =	simm.s32 @p1 $0x1;
	p0 =	seq.s32 s7, s2  }
0x1e: {  	s7 =	smul.u32 @!p0 $0xF7A, s2;
	p2 =	seq.s32 @!p0 s5, $0x0  }
0x1f: {  	s9 =	smul.u32 $0xF7A, s1;
	s8 =	simm.s32 @!p0 $0x1BF5;
	p2 =	por !p2, p0  }
0x20: {  	[sflag:s8] =	ssyncset.s32 @!p0 $0xFFFFF086;
	s6 =	sadd.s32 @!p0 s3, s7;
	s7 =	simm.s32 @!p0 $0x108  }
0x21: {  	s3 =	sadd.s32 s3, s9;
	s6 =	sadd.s32 @!p0 $0x88, s6;
	s7 =	simm.s32 @p2 $0x1082  }
0x22: {  	[simem:s7], [sflag:s8] =	dma.local @!p0 [hbm:s6], $0xF7A  }
0x23: {  	s9 =	sor.u32 $0xD0000000, s2;
	s6 =	simm.s32 $0x108;
	_ =	swait.ge @!p0 [sflag:s8], $0x0  }
0x24: {  	s3 =	sadd.s32 $0x88, s3;
	s6 =	simm.s32 @!p1 $0x1082;
	[sflag:s4] =	ssyncset.s32 $0xFFFFF086  }
0x25: {  	[simem:s6], [sflag:s4] =	dma.local [hbm:s3], $0xF7A  }
0x26: {  	[smem:$0x3F9D] =	sst s1;
	(tag) =	ssettag s2;
	_ =	strace s9  }
0x27: {  	s1 =	sld [smem:$0x3FAD]  }
0x28: {  	s2 =	sld [smem:$0x3FAE]  }
0x29: {  	s4 =	sld [smem:$0x3FB0]  }
0x2a: {  	p0 =	seq.s32 s5, $0x0;
	s5 =	sld [smem:$0x3FB1]  }
0x2b: {  	s6 =	sld [smem:$0x3FB2]  }
0x2c: {  	s7 =	sld [smem:$0x3FB3]  }
0x2d: {  	s3 =	simm.s32 $0x108;
	s8 =	sld [smem:$0x3FB4]  }
0x2e: {  	s3 =	simm.s32 @!p0 $0x1082;
	s9 =	sld [smem:$0x3FB5]  }
0x2f: {  	lr =	sadd.s32 s0, s3;
	s0 =	sld [smem:$0x3FAC]  }
0x30: {  	s3 =	sld [smem:$0x3FAF]  }
0x31: {  	[smem:$0x3FB8] =	sst s10  }
0x32: {  	s10 =	sld [smem:$0x3FB6];
	_ =	sdelay $0x3  }
0x33: {  	p0 =	seq.s32 s10, $0x1;
	s10 =	sld [smem:$0x3FB8];
	_ =	sdelay $0x3  }
0x34: {  	[smem:$0x3FB8] =	sst s10  }
0x35: {  	s10 =	sld [smem:$0x3FB7];
	_ =	sdelay $0x3  }
0x36: {  	p1 =	seq.s32 s10, $0x1;
	s10 =	sld [smem:$0x3FB8];
	_ =	sdelay $0x3  }
0x37: {  	[smem:$0x3FB8] =	sst s10  }
0x38: {  	s10 =	sld [smem:$0x3FB9]  }
0x39: {  	_ = 	snop;
	(pc) =	sbr.ind lr, $3  }
0x3a: {  	_ = 	snop  }
0x3b: {  	_ = 	snop  }
0x3c: {  	p2 =	seq.s32 s10, $0x1;
	s10 =	sld [smem:$0x3FB8]  }
0x3d: {  	_ =	shalt  }
0x3e: {  	_ =	shalt  }
0x3f: {  	_ =	shalt  }
0x40: {  	_ =	shalt  }
0x41: {  	_ =	shalt  }
0x42: {  	_ =	shalt  }
0x43: {  	_ =	shalt  }
0x44: {  	_ =	shalt  }
0x45: {  	_ =	shalt  }
0x46: {  	_ =	shalt  }
0x47: {  	_ =	shalt  }
0x48: {  	_ =	shalt  }
0x49: {  	_ =	shalt  }
0x4a: {  	_ =	shalt  }
0x4b: {  	_ =	shalt  }
0x4c: {  	_ =	shalt  }
0x4d: {  	_ =	shalt  }
0x4e: {  	_ =	shalt  }
0x4f: {  	_ =	shalt  }
0x50: {  	_ =	shalt  }
0x51: {  	_ =	shalt  }
0x52: {  	_ =	shalt  }
0x53: {  	_ =	shalt  }
0x54: {  	_ =	shalt  }
0x55: {  	_ =	shalt  }
0x56: {  	_ =	shalt  }
0x57: {  	_ =	shalt  }
0x58: {  	_ =	shalt  }
0x59: {  	_ =	shalt  }
0x5a: {  	_ =	shalt  }
0x5b: {  	_ =	shalt  }
0x5c: {  	_ =	shalt  }
0x5d: {  	_ =	shalt  }
0x5e: {  	_ =	shalt  }
0x5f: {  	_ =	shalt  }
0x60: {  	_ =	shalt  }
0x61: {  	_ =	shalt  }
0x62: {  	_ =	shalt  }
0x63: {  	_ =	shalt  }
0x64: {  	_ =	shalt  }
0x65: {  	_ =	shalt  }
0x66: {  	_ =	shalt  }
0x67: {  	_ =	shalt  }
0x68: {  	_ =	shalt  }
0x69: {  	_ =	shalt  }
0x6a: {  	_ =	shalt  }
0x6b: {  	_ =	shalt  }
0x6c: {  	_ =	shalt  }
0x6d: {  	_ =	shalt  }
0x6e: {  	_ =	shalt  }
0x6f: {  	_ =	shalt  }
0x70: {  	_ =	shalt  }
0x71: {  	_ =	shalt  }
0x72: {  	_ =	shalt  }
0x73: {  	_ =	shalt  }
0x74: {  	_ =	shalt  }
0x75: {  	_ =	shalt  }
0x76: {  	_ =	shalt  }
0x77: {  	_ =	shalt  }
0x78: {  	_ =	shalt  }
0x79: {  	_ =	shalt  }
0x7a: {  	_ =	shalt  }
0x7b: {  	_ =	shalt  }
0x7c: {  	_ =	shalt  }
0x7d: {  	_ =	shalt  }
0x7e: {  	_ =	shalt  }
0x7f: {  	_ =	shalt  }
0x80: {  	_ =	shalt  }
0x81: {  	_ =	shalt  }
0x82: {  	_ =	shalt  }
0x83: {  	_ =	shalt  }
0x84: {  	_ =	shalt  }
0x85: {  	_ =	shalt  }
0x86: {  	_ =	shalt  }
0x87: {  	_ =	shalt  }
.Lfunc_end0:
.L_simem_size_0:
called_computation_lowered:
.L_overlay_start_0:
0x88: {  	s2 =	sld [smem:$0x3FD9]  }
0x89: {  	s3 =	sld [smem:$0x3FFE];
	_ =	sdelay $0x1  }
0x8a: {  	s1 =	srdreg.scid  }
0x8b: {  	s0 =	sand.u32 $0x1, s1  }
0x8c: {  	s17 =	sshll.u32 s0, $0xA;
	s2 =	sadd.s32 s3, s2  }
0x8d: {  	s2 =	sadd.s32 s2, s17  }
0x8e: {  	[smem:$0x3FC4] =	sst s2  }
0x8f: {  	_ = 	snop  }
0x90: {  	s2 =	sld [smem:$0x3FC8]  }
0x91: {  	s18 =	sld [smem:$0x3FC7]  }
0x92: {  	s4 =	sld [smem:$0x3FC6]  }
0x93: {  	s5 =	sld [smem:$0x3FD0];
	(tm) =	ssettm $0x1  }
0x94: {  	s6 =	sld [smem:$0x3FFB];
	_ =	sdelay $0x3  }
0x95: {  	_ =	strace s6  }
0x96: {  	s6 =	sld [smem:$0x3FFC];
	_ =	sdelay $0x3  }
0x97: {  	_ =	strace s6  }
0x98: {  	s6 =	sld [smem:$0x3FFD];
	_ =	sdelay $0x3  }
0x99: {  	_ =	strace s6  }
0x9a: {  	_ =	strace $0x8FFFFFFF  }
0x9b: {  	s19 =	sld [smem:$0x3FDB];
	_ =	sdelay $0x1  }
0x9c: {  	s7 =	simm.s32 $_scs_section_size  }
0x9d: {  	s8 =	simm.s32 $_size__tile_overlayer_lowered;
	s9 =	simm.s32 $_tile_overlayer_lowered  }
0x9e: {  	s22 =	simm.s32 $0x1BFF;
	s21 =	sshll.u32 s9, $0x1;
	s6 =	sadd.s32 s7, s19  }
0x9f: {  	s10 =	simm.s32 $0x0;
	s20 =	sshll.u32 s8, $0x1;
	s8 =	sadd.s32 s21, s6  }
0xa0: {  	[timem:s10], [sflag:s22] =	dma.local [hbm:s8], s20  }
0xa1: {  	_ =	swait.ge [sflag:s22], s20  }
0xa2: {  	s7 =	ssub.s32 $0x0, s20;
	[sflag:s22] =	ssyncset.done $0x0  }
0xa3: {  	[sflag:s22] =	ssyncadd.s32 s7;
	_ =	sdelay $0x1  }
0xa4: {  	s23 =	simm.s32 $0x1B8B  }
0xa5: {  	_ =	swait.ge [sflag:s23], $0x1  }
0xa6: {  	[sflag:s23] =	ssyncset.done $0x0  }
0xa7: {  	s25 =	simm.s32 $0x1B8E;
	s24 =	sld [smem:$0x3FFE];
	[sflag:s23] =	ssyncadd.s32 $0xFFFFFFFF  }
0xa8: {  	s26 =	simm.s32 $execute0_lowered;
	[smem:$0x3FD2] =	sst s25  }
0xa9: {  	s8 =	sshll.u32 s26, $0x1;
	_ =	strace $0x80000046;
	[dreg:$0x1] =	wrdreg $0xFFFFFFFF  }
0xaa: {  	s28 =	simm.s32 $_size_execute0_lowered;
	s6 =	sadd.s32 s6, s8;
	[dreg:$0x0] =	wrdreg $0x0  }
0xab: {  	s8 =	sshll.u32 s28, $0x1;
	[dreg:$0x2] =	wrdreg s6  }
0xac: {  	[dreg:$0x3] =	wrdreg s8  }
0xad: {  	[dreg:$0x4] =	wrdreg $0xC0  }
0xae: {  	_ =	task [dreg:s10], $0x5FFFF  }
0xaf: {  	[dreg:$0x1] =	wrdreg $0xFFFFFFFF  }
0xb0: {  	[dreg:$0x0] =	wrdreg $0x60  }
0xb1: {  	[dreg:$0x2] =	wrdreg s2  }
0xb2: {  	[dreg:$0x3] =	wrdreg s18  }
0xb3: {  	[dreg:$0x4] =	wrdreg s4  }
0xb4: {  	[dreg:$0x5] =	wrdreg s5  }
0xb5: {  	[dreg:$0x6] =	wrdreg s24  }
0xb6: {  	[dreg:$0x7] =	wrdreg $0x9  }
0xb7: {  	_ =	task.clear_ibuf [dreg:s10], $0x8FFFF;
	_ =	strace $0x90000046  }
0xb8: {  	s29 =	simm.s32 $0x9;
	_ =	strace $0x80000048  }
0xb9: {  	_ =	swait.ge [sflag:s29], $0x1  }
0xba: {  	[sflag:s29] =	ssyncadd.s32 $0xFFFFFFFF  }
0xbb: {  	_ =	strace $0x90000048  }
0xbc: {  	_ =	sfence  }
0xbd: {  	s30 =	sld [smem:$0x0];
	_ =	sdelay $0x2  }
0xbe: {  	s31 =	sshll.u32 s1, $0xD;
	s1 =	sshrl.u32 s1, $0x2  }
0xbf: {  	s3 =	sand.u32 $0x4000, s31;
	s1 =	sadd.s32 s1, s30  }
0xc0: {  	s0 =	sor.u32 s3, s0;
	s1 =	sshll.u32 s1, $0x11  }
0xc1: {  	s0 =	sor.u32 s1, s0  }
0xc2: {  	s0 =	sadd.s32 $0x8F2B, s0  }
0xc3: {  	[sflag:s0] =	ssyncadd.remote.s32 $0x1  }
0xc4: {  	_ =	sfence.sel $0xFFFF  }
0xc5: {  	[dreg:$0x0] =	wrdreg $0xFFFFFFFF;
	(pc) =	sbr.abs _section_cstart, $3  }
0xc6: {  	[dreg:$0x1] =	wrdreg $0xFFFFFFFF  }
0xc7: {  	_ =	task.clear_ibuf [dreg:s10], $0x2FFFF;
	_ =	strace $0x9FFFFFFF  }
0xc8: {  	(tm) =	ssettm $0x7FFFFFFF  }
0xc9: {  	_ =	shalt  }
tec
execute0_lowered:
.L_overlay_start_1:
0x0: {  	(tag) =	ssettag $0x1  }
0x1: {  	s5 =	rddreg [dreg:$0x0]  }
0x2: {  	s1 =	rddreg [dreg:$0x1]  }
0x3: {  	s2 =	rddreg [dreg:$0x2];
	s3 =	srdreg.scid  }
0x4: {  	s10 =	rddreg [dreg:$0x3];
	s0 =	stileid.u32;
	s11 =	sand.u32 $0x1, s3  }
0x5: {  	s12 =	rddreg [dreg:$0x4];
	s6 =	sshll.u32 s0, $0x8;
	s7 =	sshll.u32 s11, $0x7  }
0x6: {  	s4 =	simm.s32 $0x0;
	s3 =	rddreg [dreg:$0x5];
	s13 =	sor.u32 s7, s6  }
0x7: {  	[smem:$0x7FF] =	sst s4;
	s6 =	sshrl.u32 s13, $0x3  }
0x8: {  	_ =	strace $0x80000047;
	s6 =	sadd.s32 s5, s6;
	s5 =	simm.s32 $0x3  }
0x9: {  	[tilespmem:s4], [sflag:$0x3] =	stream.linear.gather [hbm4b:s6+s4], $0x80, $0x38;
	[tilespmem:$0x8080] =	vst v63  }
0xa: {  	_ =	swait.ge [sflag:s5], $0x80  }
0xb: {  	[sflag:s5] =	ssyncset.done $0x0  }
0xc: {  	s7 =	simm.s32 $0x80;
	[sflag:s5] =	ssyncadd.s32 $0xFFFFFF80  }
0xd: {  	[tilespmem:s7], [sflag:$0x1] =	stream.indirect.gather [hbm4b:s1+s7], $0x80, s4, s7, $0xb8;
	[tilespmem:$0x8080] =	vst v63  }
0xe: {  	s8 =	simm.s32 $0x4080;
	s9 =	simm.s32 $0x1  }
0xf: {  	[tilespmem:s8], [sflag:$0x2] =	stream.indirect.gather [hbm4b:s2+s7], $0x80, s4, s7, $0xb8;
	[tilespmem:$0x8080] =	vst v63  }
0x10: {  	_ =	swait.ge [sflag:s9], $0x4000  }
0x11: {  	s13 =	sshll.u32 s13, $0x4;
	[sflag:s9] =	ssyncset.done $0x0  }
0x12: {  	s14 =	ssub.s32 $0x2, s11;
	s10 =	sadd.s32 s10, s13;
	[sflag:s9] =	ssyncadd.s32 $0xFFFFC000  }
0x13: {  	[hbm4b:s10+s4] =	stream.linear.scatter [tilespmem:s7], [sflag:$0x3], $0x4000, $0x38;
	[tilespmem:$0x8080] =	vst v63  }
0x14: {  	s15 =	sshrl.u32 s14, $0x1;
	_ =	swait.ge [sflag:s5], $0x4000  }
0x15: {  	s11 =	simm.s32 $0x2;
	s31 =	ssub.s32 s14, s15;
	[sflag:s5] =	ssyncset.done $0x0  }
0x16: {  	s12 =	sadd.s32 s13, s12;
	s13 =	smax.u32 s31, $0x1;
	[sflag:s5] =	ssyncadd.s32 $0xFFFFC000  }
0x17: {  	p0 =	sne.s32 s13, $0x1;
	_ =	swait.ge [sflag:s11], $0x4000  }
.Ltmp0:
0x18: {  	[sflag:s11] =	ssyncset.done $0x0;
	(pc) =	sbr.rel @!p0 .LBB2_2-.Ltmp0, $4  }
0x19: {  	s12 =	sadd.s32 $0xE00, s12;
	[sflag:s11] =	ssyncadd.s32 $0xFFFFC000  }
0x1a: {  	[hbm4b:s12+s4] =	stream.linear.scatter [tilespmem:s8], [sflag:$0x3], $0x4000, $0x38;
	[tilespmem:$0x8080] =	vst v63  }
0x1b: {  	_ =	swait.ge [sflag:s5], $0x4000  }
0x1c: {  	s13 =	sadd.s32 $0xFFFFFFFF, s13;
	[sflag:s5] =	ssyncset.done $0x0  }
.LBB2_1:
0x1d: {  	p0 =	sne.s32 s13, $0x1;
	s13 =	sadd.s32 $0xFFFFFFFF, s13;
	[sflag:s5] =	ssyncadd.s32 $0xFFFFC000  }
0x1e: {  	[tilespmem:s4], [sflag:$0x3] =	stream.linear.gather [hbm4b:s6+s4], $0x80, $0x38;
	[tilespmem:$0x8080] =	vst v63  }
0x1f: {  	_ =	swait.ge [sflag:s5], $0x80  }
0x20: {  	[sflag:s5] =	ssyncset.done $0x0  }
0x21: {  	[sflag:s5] =	ssyncadd.s32 $0xFFFFFF80  }
0x22: {  	[tilespmem:s7], [sflag:$0x1] =	stream.indirect.gather [hbm4b:s1+s7], $0x80, s4, s7, $0xb8;
	[tilespmem:$0x8080] =	vst v63  }
0x23: {  	_ = 	snop  }
0x24: {  	[tilespmem:s8], [sflag:$0x2] =	stream.indirect.gather [hbm4b:s2+s7], $0x80, s4, s7, $0xb8;
	[tilespmem:$0x8080] =	vst v63  }
0x25: {  	_ =	swait.ge [sflag:s9], $0x4000  }
0x26: {  	[sflag:s9] =	ssyncset.done $0x0  }
0x27: {  	[sflag:s9] =	ssyncadd.s32 $0xFFFFC000  }
0x28: {  	[hbm4b:s10+s4] =	stream.linear.scatter [tilespmem:s7], [sflag:$0x3], $0x4000, $0x38;
	[tilespmem:$0x8080] =	vst v63  }
0x29: {  	_ =	swait.ge [sflag:s5], $0x4000  }
0x2a: {  	[sflag:s5] =	ssyncset.done $0x0  }
0x2b: {  	[sflag:s5] =	ssyncadd.s32 $0xFFFFC000  }
0x2c: {  	_ =	swait.ge [sflag:s11], $0x4000  }
.Ltmp1:
0x2d: {  	[sflag:s11] =	ssyncset.done $0x0;
	(pc) =	sbr.rel @p0 .LBB2_1-.Ltmp1, $4  }
0x2e: {  	[sflag:s11] =	ssyncadd.s32 $0xFFFFC000  }
0x2f: {  	[hbm4b:s12+s4] =	stream.linear.scatter [tilespmem:s8], [sflag:$0x3], $0x4000, $0x38;
	[tilespmem:$0x8080] =	vst v63  }
0x30: {  	_ =	swait.ge [sflag:s5], $0x4000  }
0x31: {  	[sflag:s5] =	ssyncset.done $0x0  }
.LBB2_2:
0x32: {  	[sflag:s5] =	ssyncadd.s32 $0xFFFFC000  }
0x33: {  	_ =	sfence.sel $0x180000  }
0x34: {  	[bflag:$0x0] =	sbarrier.arrive $0xFFFF  }
0x35: {  	p0 =	sne.s32 s0, $0x0;
	_ =	strace $0x90000047  }
0x36: {  	s0 =	sadd.s32 @!p0 $0x100000, s3;
	[bflag:$0x2] =	sbarrier.arrive $0xFFFF  }
0x37: {  	[sflag:s0] =	ssyncadd.tile.s32 @!p0 $0x1;
	_ =	shalt  }
.Lfunc_end2:
_tile_overlayer_lowered:
.L_overlay_start_2:
0x38: {  	(tag) =	ssettag $0x2  }
0x39: {  	s0 =	rddreg [dreg:$0x0];
	s2 =	stileid.u32  }
0x3a: {  	s1 =	rddreg [dreg:$0x1];
	p0 =	sne.s32 s2, $0x0  }
0x3b: {  	s3 =	rddreg [dreg:$0x2];
	[bflag:$0x3] =	sbarrier.arrive $0xFFFF;
	s2 =	simm.s32 @!p0 $0x1C03  }
0x3c: {  	[timem:s3], [sflag:s2] =	dma.local @!p0 [hbm:s0], s1  }
0x3d: {  	s0 =	simm.s32 @!p0 $0x3  }
0x3e: {  	_ =	swait.ge @!p0 [sflag:s0], s1  }
0x3f: {  	s1 =	ssub.s32 @!p0 $0x0, s1;
	[sflag:s0] =	ssyncset.done @!p0 $0x0  }
0x40: {  	[sflag:s0] =	ssyncadd.s32 @!p0 s1  }
0x41: {  	[bflag:$0x3] =	sbarrier.arrive $0xFFFF  }
0x42: {  	_ =	shalt  }

</sc_bundles>
